<compile_context>
chip_gen: v7x
topology: tpu7x:2x2x1
jax: 0.10.2.dev20260603
libtpu: 0.0.44.dev20260713+nightly
codegen_flags: <defaults>
</compile_context>

<pallas_src>
import functools

import jax
import jax.numpy as jnp
from jax import lax
from jax.experimental import pallas as pl
from jax.experimental.pallas import tpu as pltpu
from jax.experimental.pallas import tpu_sc as plsc

_VOCAB = 1000
_B = 1024
_T = 50
_NW = 32
_BPW = _B // _NW


def _make_gather():
    mesh = plsc.VectorSubcoreMesh(core_axis_name="c", subcore_axis_name="s")

    @functools.partial(
        pl.kernel,
        out_type=jax.ShapeDtypeStruct((_B, _T, _VOCAB), jnp.float32),
        mesh=mesh,
        compiler_params=pltpu.CompilerParams(use_tc_tiling_on_sc=False),
        scratch_types=[
            pltpu.VMEM((_BPW, _T), jnp.int32),
            pltpu.VMEM((_T, _VOCAB), jnp.float32),
            pltpu.VMEM((_T, _VOCAB), jnp.float32),
            pltpu.SemaphoreType.DMA,
            pltpu.SemaphoreType.DMA,
            pltpu.SemaphoreType.DMA,
            pltpu.SemaphoreType.DMA,
        ],
    )
    def embed_gather(idx_hbm, table_hbm, out_hbm, idx_v, buf0, buf1,
                     gsem0, gsem1, wsem0, wsem1):
        wid = lax.axis_index("s") * 2 + lax.axis_index("c")
        base = wid * _BPW
        pltpu.sync_copy(idx_hbm.at[pl.ds(base, _BPW)], idx_v)

        bufs = (buf0, buf1)
        gsems = (gsem0, gsem1)
        wsems = (wsem0, wsem1)

        def gather_start(c, b):
            pltpu.async_copy(table_hbm.at[idx_v.at[c]], bufs[b], gsems[b])

        def gather_wait(b):
            pltpu.make_async_copy(
                table_hbm.at[idx_v.at[0]], bufs[b], gsems[b]).wait()

        def write_start(c, b):
            pltpu.async_copy(bufs[b], out_hbm.at[base + c], wsems[b])

        def write_wait(b):
            pltpu.make_async_copy(bufs[b], out_hbm.at[base], wsems[b]).wait()

        gather_start(0, 0)

        gather_start(1, 1)
        gather_wait(0)
        write_start(0, 0)

        @pl.loop(1, _BPW - 1, step=2)
        def _pair(g):
            for b in (1, 0):
                c = g if b == 1 else g + 1
                write_wait(1 - b)
                gather_start(c + 1, 1 - b)
                gather_wait(b)
                write_start(c, b)

        write_wait(0)
        gather_wait(1)
        write_start(_BPW - 1, 1)
        write_wait(1)

    return embed_gather


def kernel(idx, token_embedding_table):
    return _make_gather()(idx, token_embedding_table)

# --- scband reference (transcript-rebuilt; emitter-appended) ---
"""Pipeline reference for scband-bigram-language-model-8598524526641 (READ-ONLY COPY).

The authoritative reference and input builder live on the scoring server;
editing this copy changes nothing except your own understanding.
"""

import jax, jax.numpy as jnp
import numpy as np

VOCAB = 1000
BATCH = 1024
TIME = 50

def setup_inputs(seed: int = 0) -> dict:
    key = jax.random.key(seed)
    k_idx, k_tab = jax.random.split(key)
    idx = jax.random.randint(k_idx, (BATCH, TIME), 0, VOCAB, dtype=jnp.int32)
    # learned parameter: token_embedding_table of shape (vocab_size, vocab_size)
    token_embedding_table = jax.random.normal(k_tab, (VOCAB, VOCAB), dtype=jnp.float32)
    return {"idx": idx, "token_embedding_table": token_embedding_table}

def reference(idx, token_embedding_table):
    # BigramLanguageModel.forward with targets=None:
    #   logits = self.token_embedding_table(idx)  -> gather rows of the table
    #   loss = None (omitted; targets not provided)
    logits = jnp.take(token_embedding_table, idx, axis=0)  # (B, T, vocab)
    return logits

if __name__ == "__main__":
    import jax
    _d = setup_inputs()
    print(jax.jit(kernel)(*tuple(_d.values())))

</pallas_src>

<mosaic_0001>
#map = affine_map<(d0, d1) -> (0, 0)>
#map1 = affine_map<(d0, d1) -> (0, 0, 0)>
module attributes {stable_mosaic.version = 14 : i64} {
  func.func @embed_gather(%arg0: i32, %arg1: i32, %arg2: memref<1024x50xi32, #tpu.memory_space<hbm>>, %arg3: memref<1000x1000xf32, #tpu.memory_space<hbm>>, %arg4: memref<1024x50x1000xf32, #tpu.memory_space<hbm>>, %arg5: memref<32x50xi32, #tpu.memory_space<vmem>>, %arg6: memref<50x1000xf32, #tpu.memory_space<vmem>>, %arg7: memref<50x1000xf32, #tpu.memory_space<vmem>>, %arg8: memref<!tpu.dma_semaphore, #tpu.memory_space<semaphore_mem>>, %arg9: memref<!tpu.dma_semaphore, #tpu.memory_space<semaphore_mem>>, %arg10: memref<!tpu.dma_semaphore, #tpu.memory_space<semaphore_mem>>, %arg11: memref<!tpu.dma_semaphore, #tpu.memory_space<semaphore_mem>>) attributes {dimension_semantics = [#tpu.dimension_semantics<core_parallel>, #tpu.dimension_semantics<subcore_parallel>], iteration_bounds = array<i64: 2, 16>, scalar_prefetch = 0 : i64, scratch_operands = 7 : i64, tpu.core_type = #tpu.core_type<sc_vector_subcore>, window_params = [{transform_indices = #map}, {transform_indices = #map}, {transform_indices = #map1}]} {
    %mul3A = arith.constant 2 : i32
    %mul3A_0 = arith.muli %arg1, %mul3A : i32
    %add3A = arith.addi %mul3A_0, %arg0 : i32
    %mul3A_1 = arith.constant 32 : i32
    %mul3A_2 = arith.muli %add3A, %mul3A_1 : i32
    "tpu.region"() ({
      %run_scoped3A = tpu.sem_alloc : memref<!tpu.dma_semaphore, #tpu.memory_space<semaphore_mem>>
      %dma_start3A_69 = arith.constant 0 : i32
      %dma_start3A_70 = tpu.memref_slice %arg2[%mul3A_2, %dma_start3A_69] : memref<1024x50xi32, #tpu.memory_space<hbm>> -> memref<32x50xi32, #tpu.memory_space<hbm>>
      %dma_start3A_71 = arith.constant 0 : i32
      %dma_start3A_72 = tpu.memref_slice %arg2[%mul3A_2, %dma_start3A_71] : memref<1024x50xi32, #tpu.memory_space<hbm>> -> memref<32x50xi32, #tpu.memory_space<hbm>>
      tpu.enqueue_dma source(%dma_start3A_72 : memref<32x50xi32, #tpu.memory_space<hbm>>) target(%arg5 : memref<32x50xi32, #tpu.memory_space<vmem>>) target_semaphore(%run_scoped3A : memref<!tpu.dma_semaphore, #tpu.memory_space<semaphore_mem>>)
      %dma_wait3A_73 = arith.constant 0 : i32
      %dma_wait3A_74 = tpu.memref_slice %arg2[%mul3A_2, %dma_wait3A_73] : memref<1024x50xi32, #tpu.memory_space<hbm>> -> memref<32x50xi32, #tpu.memory_space<hbm>>
      %dma_wait3A_75 = arith.constant 0 : i32
      %dma_wait3A_76 = tpu.memref_slice %arg2[%mul3A_2, %dma_wait3A_75] : memref<1024x50xi32, #tpu.memory_space<hbm>> -> memref<32x50xi32, #tpu.memory_space<hbm>>
      tpu.wait_dma2 semaphore(%run_scoped3A : memref<!tpu.dma_semaphore, #tpu.memory_space<semaphore_mem>>) src(%dma_wait3A_76 : memref<32x50xi32, #tpu.memory_space<hbm>>) dst(%arg5 : memref<32x50xi32, #tpu.memory_space<vmem>>)
      tpu.yield
    }) : () -> ()
    %dma_start3A = arith.constant 0 : i32
    %dma_start3A_3 = arith.constant 0 : i32
    %dma_start3A_4 = tpu.memref_slice %arg5[%dma_start3A, %dma_start3A_3] : memref<32x50xi32, #tpu.memory_space<vmem>> -> memref<1x50xi32, #tpu.memory_space<vmem>>
    %dma_start3A_5 = tpu.memref_squeeze %dma_start3A_4 : memref<1x50xi32, #tpu.memory_space<vmem>> -> memref<50xi32, #tpu.memory_space<vmem>>
    %dma_start3A_6 = arith.constant 0 : i32
    %dma_start3A_7 = arith.constant 0 : i32
    %dma_start3A_8 = tpu.memref_slice %arg3[%dma_start3A_6, %dma_start3A_7] : memref<1000x1000xf32, #tpu.memory_space<hbm>> -> memref<1000x1000xf32, #tpu.memory_space<hbm>>
    tpu.enqueue_indirect_dma source(%dma_start3A_8 : memref<1000x1000xf32, #tpu.memory_space<hbm>>) target(%arg6 : memref<50x1000xf32, #tpu.memory_space<vmem>>) offsets(%dma_start3A_5 : memref<50xi32, #tpu.memory_space<vmem>>) semaphore(%arg8 : memref<!tpu.dma_semaphore, #tpu.memory_space<semaphore_mem>>)
    %dma_start3A_9 = arith.constant 1 : i32
    %dma_start3A_10 = arith.constant 0 : i32
    %dma_start3A_11 = tpu.memref_slice %arg5[%dma_start3A_9, %dma_start3A_10] : memref<32x50xi32, #tpu.memory_space<vmem>> -> memref<1x50xi32, #tpu.memory_space<vmem>>
    %dma_start3A_12 = tpu.memref_squeeze %dma_start3A_11 : memref<1x50xi32, #tpu.memory_space<vmem>> -> memref<50xi32, #tpu.memory_space<vmem>>
    %dma_start3A_13 = arith.constant 0 : i32
    %dma_start3A_14 = arith.constant 0 : i32
    %dma_start3A_15 = tpu.memref_slice %arg3[%dma_start3A_13, %dma_start3A_14] : memref<1000x1000xf32, #tpu.memory_space<hbm>> -> memref<1000x1000xf32, #tpu.memory_space<hbm>>
    tpu.enqueue_indirect_dma source(%dma_start3A_15 : memref<1000x1000xf32, #tpu.memory_space<hbm>>) target(%arg7 : memref<50x1000xf32, #tpu.memory_space<vmem>>) offsets(%dma_start3A_12 : memref<50xi32, #tpu.memory_space<vmem>>) semaphore(%arg9 : memref<!tpu.dma_semaphore, #tpu.memory_space<semaphore_mem>>)
    %dma_wait3A = arith.constant 0 : i32
    %dma_wait3A_16 = arith.constant 0 : i32
    %dma_wait3A_17 = tpu.memref_slice %arg5[%dma_wait3A, %dma_wait3A_16] : memref<32x50xi32, #tpu.memory_space<vmem>> -> memref<1x50xi32, #tpu.memory_space<vmem>>
    %dma_wait3A_18 = tpu.memref_squeeze %dma_wait3A_17 : memref<1x50xi32, #tpu.memory_space<vmem>> -> memref<50xi32, #tpu.memory_space<vmem>>
    %dma_wait3A_19 = arith.constant 0 : i32
    %dma_wait3A_20 = arith.constant 0 : i32
    %dma_wait3A_21 = tpu.memref_slice %arg3[%dma_wait3A_19, %dma_wait3A_20] : memref<1000x1000xf32, #tpu.memory_space<hbm>> -> memref<1000x1000xf32, #tpu.memory_space<hbm>>
    tpu.wait_indirect_dma semaphore(%arg8 : memref<!tpu.dma_semaphore, #tpu.memory_space<semaphore_mem>>) src(%dma_wait3A_21 : memref<1000x1000xf32, #tpu.memory_space<hbm>>) dst(%arg6 : memref<50x1000xf32, #tpu.memory_space<vmem>>)
    %add3A_22 = arith.constant 0 : i32
    %add3A_23 = arith.addi %mul3A_2, %add3A_22 : i32
    %dma_start3A_24 = arith.constant 0 : i32
    %dma_start3A_25 = arith.constant 0 : i32
    %dma_start3A_26 = tpu.memref_slice %arg4[%add3A_23, %dma_start3A_24, %dma_start3A_25] : memref<1024x50x1000xf32, #tpu.memory_space<hbm>> -> memref<1x50x1000xf32, #tpu.memory_space<hbm>>
    %dma_start3A_27 = tpu.memref_squeeze %dma_start3A_26 : memref<1x50x1000xf32, #tpu.memory_space<hbm>> -> memref<50x1000xf32, #tpu.memory_space<hbm>>
    %dma_start3A_28 = arith.constant 0 : i32
    %dma_start3A_29 = arith.constant 0 : i32
    %dma_start3A_30 = tpu.memref_slice %arg4[%add3A_23, %dma_start3A_28, %dma_start3A_29] : memref<1024x50x1000xf32, #tpu.memory_space<hbm>> -> memref<1x50x1000xf32, #tpu.memory_space<hbm>>
    %dma_start3A_31 = tpu.memref_squeeze %dma_start3A_30 : memref<1x50x1000xf32, #tpu.memory_space<hbm>> -> memref<50x1000xf32, #tpu.memory_space<hbm>>
    tpu.enqueue_dma source(%arg6 : memref<50x1000xf32, #tpu.memory_space<vmem>>) target(%dma_start3A_31 : memref<50x1000xf32, #tpu.memory_space<hbm>>) target_semaphore(%arg10 : memref<!tpu.dma_semaphore, #tpu.memory_space<semaphore_mem>>)
    %scan3A = arith.constant 0 : i32
    %scan3A_32 = arith.constant 15 : i32
    %scan3A_33 = arith.addi %scan3A, %scan3A_32 : i32
    %scan3A_34 = arith.constant 1 : i32
    scf.for %scan3A_69 = %scan3A to %scan3A_33 step %scan3A_34  : i32 {
      %mul3A_70 = arith.constant 2 : i32
      %mul3A_71 = arith.muli %scan3A_69, %mul3A_70 : i32
      %add3A_72 = arith.constant 1 : i32
      %add3A_73 = arith.addi %add3A_72, %mul3A_71 : i32
      %dma_wait3A_74 = arith.constant 0 : i32
      %dma_wait3A_75 = arith.constant 0 : i32
      %dma_wait3A_76 = tpu.memref_slice %arg4[%mul3A_2, %dma_wait3A_74, %dma_wait3A_75] : memref<1024x50x1000xf32, #tpu.memory_space<hbm>> -> memref<1x50x1000xf32, #tpu.memory_space<hbm>>
      %dma_wait3A_77 = tpu.memref_squeeze %dma_wait3A_76 : memref<1x50x1000xf32, #tpu.memory_space<hbm>> -> memref<50x1000xf32, #tpu.memory_space<hbm>>
      %dma_wait3A_78 = arith.constant 0 : i32
      %dma_wait3A_79 = arith.constant 0 : i32
      %dma_wait3A_80 = tpu.memref_slice %arg4[%mul3A_2, %dma_wait3A_78, %dma_wait3A_79] : memref<1024x50x1000xf32, #tpu.memory_space<hbm>> -> memref<1x50x1000xf32, #tpu.memory_space<hbm>>
      %dma_wait3A_81 = tpu.memref_squeeze %dma_wait3A_80 : memref<1x50x1000xf32, #tpu.memory_space<hbm>> -> memref<50x1000xf32, #tpu.memory_space<hbm>>
      tpu.wait_dma2 semaphore(%arg10 : memref<!tpu.dma_semaphore, #tpu.memory_space<semaphore_mem>>) src(%arg6 : memref<50x1000xf32, #tpu.memory_space<vmem>>) dst(%dma_wait3A_81 : memref<50x1000xf32, #tpu.memory_space<hbm>>)
      %add3A_82 = arith.constant 1 : i32
      %add3A_83 = arith.addi %add3A_73, %add3A_82 : i32
      %dma_start3A_84 = arith.constant 0 : i32
      %dma_start3A_85 = tpu.memref_slice %arg5[%add3A_83, %dma_start3A_84] : memref<32x50xi32, #tpu.memory_space<vmem>> -> memref<1x50xi32, #tpu.memory_space<vmem>>
      %dma_start3A_86 = tpu.memref_squeeze %dma_start3A_85 : memref<1x50xi32, #tpu.memory_space<vmem>> -> memref<50xi32, #tpu.memory_space<vmem>>
      %dma_start3A_87 = arith.constant 0 : i32
      %dma_start3A_88 = arith.constant 0 : i32
      %dma_start3A_89 = tpu.memref_slice %arg3[%dma_start3A_87, %dma_start3A_88] : memref<1000x1000xf32, #tpu.memory_space<hbm>> -> memref<1000x1000xf32, #tpu.memory_space<hbm>>
      tpu.enqueue_indirect_dma source(%dma_start3A_89 : memref<1000x1000xf32, #tpu.memory_space<hbm>>) target(%arg6 : memref<50x1000xf32, #tpu.memory_space<vmem>>) offsets(%dma_start3A_86 : memref<50xi32, #tpu.memory_space<vmem>>) semaphore(%arg8 : memref<!tpu.dma_semaphore, #tpu.memory_space<semaphore_mem>>)
      %dma_wait3A_90 = arith.constant 0 : i32
      %dma_wait3A_91 = arith.constant 0 : i32
      %dma_wait3A_92 = tpu.memref_slice %arg5[%dma_wait3A_90, %dma_wait3A_91] : memref<32x50xi32, #tpu.memory_space<vmem>> -> memref<1x50xi32, #tpu.memory_space<vmem>>
      %dma_wait3A_93 = tpu.memref_squeeze %dma_wait3A_92 : memref<1x50xi32, #tpu.memory_space<vmem>> -> memref<50xi32, #tpu.memory_space<vmem>>
      %dma_wait3A_94 = arith.constant 0 : i32
      %dma_wait3A_95 = arith.constant 0 : i32
      %dma_wait3A_96 = tpu.memref_slice %arg3[%dma_wait3A_94, %dma_wait3A_95] : memref<1000x1000xf32, #tpu.memory_space<hbm>> -> memref<1000x1000xf32, #tpu.memory_space<hbm>>
      tpu.wait_indirect_dma semaphore(%arg9 : memref<!tpu.dma_semaphore, #tpu.memory_space<semaphore_mem>>) src(%dma_wait3A_96 : memref<1000x1000xf32, #tpu.memory_space<hbm>>) dst(%arg7 : memref<50x1000xf32, #tpu.memory_space<vmem>>)
      %add3A_97 = arith.addi %mul3A_2, %add3A_73 : i32
      %dma_start3A_98 = arith.constant 0 : i32
      %dma_start3A_99 = arith.constant 0 : i32
      %dma_start3A_100 = tpu.memref_slice %arg4[%add3A_97, %dma_start3A_98, %dma_start3A_99] : memref<1024x50x1000xf32, #tpu.memory_space<hbm>> -> memref<1x50x1000xf32, #tpu.memory_space<hbm>>
      %dma_start3A_101 = tpu.memref_squeeze %dma_start3A_100 : memref<1x50x1000xf32, #tpu.memory_space<hbm>> -> memref<50x1000xf32, #tpu.memory_space<hbm>>
      %dma_start3A_102 = arith.constant 0 : i32
      %dma_start3A_103 = arith.constant 0 : i32
      %dma_start3A_104 = tpu.memref_slice %arg4[%add3A_97, %dma_start3A_102, %dma_start3A_103] : memref<1024x50x1000xf32, #tpu.memory_space<hbm>> -> memref<1x50x1000xf32, #tpu.memory_space<hbm>>
      %dma_start3A_105 = tpu.memref_squeeze %dma_start3A_104 : memref<1x50x1000xf32, #tpu.memory_space<hbm>> -> memref<50x1000xf32, #tpu.memory_space<hbm>>
      tpu.enqueue_dma source(%arg7 : memref<50x1000xf32, #tpu.memory_space<vmem>>) target(%dma_start3A_105 : memref<50x1000xf32, #tpu.memory_space<hbm>>) target_semaphore(%arg11 : memref<!tpu.dma_semaphore, #tpu.memory_space<semaphore_mem>>)
      %add3A_106 = arith.constant 1 : i32
      %add3A_107 = arith.addi %add3A_73, %add3A_106 : i32
      %dma_wait3A_108 = arith.constant 0 : i32
      %dma_wait3A_109 = arith.constant 0 : i32
      %dma_wait3A_110 = tpu.memref_slice %arg4[%mul3A_2, %dma_wait3A_108, %dma_wait3A_109] : memref<1024x50x1000xf32, #tpu.memory_space<hbm>> -> memref<1x50x1000xf32, #tpu.memory_space<hbm>>
      %dma_wait3A_111 = tpu.memref_squeeze %dma_wait3A_110 : memref<1x50x1000xf32, #tpu.memory_space<hbm>> -> memref<50x1000xf32, #tpu.memory_space<hbm>>
      %dma_wait3A_112 = arith.constant 0 : i32
      %dma_wait3A_113 = arith.constant 0 : i32
      %dma_wait3A_114 = tpu.memref_slice %arg4[%mul3A_2, %dma_wait3A_112, %dma_wait3A_113] : memref<1024x50x1000xf32, #tpu.memory_space<hbm>> -> memref<1x50x1000xf32, #tpu.memory_space<hbm>>
      %dma_wait3A_115 = tpu.memref_squeeze %dma_wait3A_114 : memref<1x50x1000xf32, #tpu.memory_space<hbm>> -> memref<50x1000xf32, #tpu.memory_space<hbm>>
      tpu.wait_dma2 semaphore(%arg11 : memref<!tpu.dma_semaphore, #tpu.memory_space<semaphore_mem>>) src(%arg7 : memref<50x1000xf32, #tpu.memory_space<vmem>>) dst(%dma_wait3A_115 : memref<50x1000xf32, #tpu.memory_space<hbm>>)
      %add3A_116 = arith.constant 1 : i32
      %add3A_117 = arith.addi %add3A_107, %add3A_116 : i32
      %dma_start3A_118 = arith.constant 0 : i32
      %dma_start3A_119 = tpu.memref_slice %arg5[%add3A_117, %dma_start3A_118] : memref<32x50xi32, #tpu.memory_space<vmem>> -> memref<1x50xi32, #tpu.memory_space<vmem>>
      %dma_start3A_120 = tpu.memref_squeeze %dma_start3A_119 : memref<1x50xi32, #tpu.memory_space<vmem>> -> memref<50xi32, #tpu.memory_space<vmem>>
      %dma_start3A_121 = arith.constant 0 : i32
      %dma_start3A_122 = arith.constant 0 : i32
      %dma_start3A_123 = tpu.memref_slice %arg3[%dma_start3A_121, %dma_start3A_122] : memref<1000x1000xf32, #tpu.memory_space<hbm>> -> memref<1000x1000xf32, #tpu.memory_space<hbm>>
      tpu.enqueue_indirect_dma source(%dma_start3A_123 : memref<1000x1000xf32, #tpu.memory_space<hbm>>) target(%arg7 : memref<50x1000xf32, #tpu.memory_space<vmem>>) offsets(%dma_start3A_120 : memref<50xi32, #tpu.memory_space<vmem>>) semaphore(%arg9 : memref<!tpu.dma_semaphore, #tpu.memory_space<semaphore_mem>>)
      %dma_wait3A_124 = arith.constant 0 : i32
      %dma_wait3A_125 = arith.constant 0 : i32
      %dma_wait3A_126 = tpu.memref_slice %arg5[%dma_wait3A_124, %dma_wait3A_125] : memref<32x50xi32, #tpu.memory_space<vmem>> -> memref<1x50xi32, #tpu.memory_space<vmem>>
      %dma_wait3A_127 = tpu.memref_squeeze %dma_wait3A_126 : memref<1x50xi32, #tpu.memory_space<vmem>> -> memref<50xi32, #tpu.memory_space<vmem>>
      %dma_wait3A_128 = arith.constant 0 : i32
      %dma_wait3A_129 = arith.constant 0 : i32
      %dma_wait3A_130 = tpu.memref_slice %arg3[%dma_wait3A_128, %dma_wait3A_129] : memref<1000x1000xf32, #tpu.memory_space<hbm>> -> memref<1000x1000xf32, #tpu.memory_space<hbm>>
      tpu.wait_indirect_dma semaphore(%arg8 : memref<!tpu.dma_semaphore, #tpu.memory_space<semaphore_mem>>) src(%dma_wait3A_130 : memref<1000x1000xf32, #tpu.memory_space<hbm>>) dst(%arg6 : memref<50x1000xf32, #tpu.memory_space<vmem>>)
      %add3A_131 = arith.addi %mul3A_2, %add3A_107 : i32
      %dma_start3A_132 = arith.constant 0 : i32
      %dma_start3A_133 = arith.constant 0 : i32
      %dma_start3A_134 = tpu.memref_slice %arg4[%add3A_131, %dma_start3A_132, %dma_start3A_133] : memref<1024x50x1000xf32, #tpu.memory_space<hbm>> -> memref<1x50x1000xf32, #tpu.memory_space<hbm>>
      %dma_start3A_135 = tpu.memref_squeeze %dma_start3A_134 : memref<1x50x1000xf32, #tpu.memory_space<hbm>> -> memref<50x1000xf32, #tpu.memory_space<hbm>>
      %dma_start3A_136 = arith.constant 0 : i32
      %dma_start3A_137 = arith.constant 0 : i32
      %dma_start3A_138 = tpu.memref_slice %arg4[%add3A_131, %dma_start3A_136, %dma_start3A_137] : memref<1024x50x1000xf32, #tpu.memory_space<hbm>> -> memref<1x50x1000xf32, #tpu.memory_space<hbm>>
      %dma_start3A_139 = tpu.memref_squeeze %dma_start3A_138 : memref<1x50x1000xf32, #tpu.memory_space<hbm>> -> memref<50x1000xf32, #tpu.memory_space<hbm>>
      tpu.enqueue_dma source(%arg6 : memref<50x1000xf32, #tpu.memory_space<vmem>>) target(%dma_start3A_139 : memref<50x1000xf32, #tpu.memory_space<hbm>>) target_semaphore(%arg10 : memref<!tpu.dma_semaphore, #tpu.memory_space<semaphore_mem>>)
    }
    %scan3A_35 = arith.constant 15 : i32
    %dma_wait3A_36 = arith.constant 0 : i32
    %dma_wait3A_37 = arith.constant 0 : i32
    %dma_wait3A_38 = tpu.memref_slice %arg4[%mul3A_2, %dma_wait3A_36, %dma_wait3A_37] : memref<1024x50x1000xf32, #tpu.memory_space<hbm>> -> memref<1x50x1000xf32, #tpu.memory_space<hbm>>
    %dma_wait3A_39 = tpu.memref_squeeze %dma_wait3A_38 : memref<1x50x1000xf32, #tpu.memory_space<hbm>> -> memref<50x1000xf32, #tpu.memory_space<hbm>>
    %dma_wait3A_40 = arith.constant 0 : i32
    %dma_wait3A_41 = arith.constant 0 : i32
    %dma_wait3A_42 = tpu.memref_slice %arg4[%mul3A_2, %dma_wait3A_40, %dma_wait3A_41] : memref<1024x50x1000xf32, #tpu.memory_space<hbm>> -> memref<1x50x1000xf32, #tpu.memory_space<hbm>>
    %dma_wait3A_43 = tpu.memref_squeeze %dma_wait3A_42 : memref<1x50x1000xf32, #tpu.memory_space<hbm>> -> memref<50x1000xf32, #tpu.memory_space<hbm>>
    tpu.wait_dma2 semaphore(%arg10 : memref<!tpu.dma_semaphore, #tpu.memory_space<semaphore_mem>>) src(%arg6 : memref<50x1000xf32, #tpu.memory_space<vmem>>) dst(%dma_wait3A_43 : memref<50x1000xf32, #tpu.memory_space<hbm>>)
    %dma_wait3A_44 = arith.constant 0 : i32
    %dma_wait3A_45 = arith.constant 0 : i32
    %dma_wait3A_46 = tpu.memref_slice %arg5[%dma_wait3A_44, %dma_wait3A_45] : memref<32x50xi32, #tpu.memory_space<vmem>> -> memref<1x50xi32, #tpu.memory_space<vmem>>
    %dma_wait3A_47 = tpu.memref_squeeze %dma_wait3A_46 : memref<1x50xi32, #tpu.memory_space<vmem>> -> memref<50xi32, #tpu.memory_space<vmem>>
    %dma_wait3A_48 = arith.constant 0 : i32
    %dma_wait3A_49 = arith.constant 0 : i32
    %dma_wait3A_50 = tpu.memref_slice %arg3[%dma_wait3A_48, %dma_wait3A_49] : memref<1000x1000xf32, #tpu.memory_space<hbm>> -> memref<1000x1000xf32, #tpu.memory_space<hbm>>
    tpu.wait_indirect_dma semaphore(%arg9 : memref<!tpu.dma_semaphore, #tpu.memory_space<semaphore_mem>>) src(%dma_wait3A_50 : memref<1000x1000xf32, #tpu.memory_space<hbm>>) dst(%arg7 : memref<50x1000xf32, #tpu.memory_space<vmem>>)
    %add3A_51 = arith.constant 31 : i32
    %add3A_52 = arith.addi %mul3A_2, %add3A_51 : i32
    %dma_start3A_53 = arith.constant 0 : i32
    %dma_start3A_54 = arith.constant 0 : i32
    %dma_start3A_55 = tpu.memref_slice %arg4[%add3A_52, %dma_start3A_53, %dma_start3A_54] : memref<1024x50x1000xf32, #tpu.memory_space<hbm>> -> memref<1x50x1000xf32, #tpu.memory_space<hbm>>
    %dma_start3A_56 = tpu.memref_squeeze %dma_start3A_55 : memref<1x50x1000xf32, #tpu.memory_space<hbm>> -> memref<50x1000xf32, #tpu.memory_space<hbm>>
    %dma_start3A_57 = arith.constant 0 : i32
    %dma_start3A_58 = arith.constant 0 : i32
    %dma_start3A_59 = tpu.memref_slice %arg4[%add3A_52, %dma_start3A_57, %dma_start3A_58] : memref<1024x50x1000xf32, #tpu.memory_space<hbm>> -> memref<1x50x1000xf32, #tpu.memory_space<hbm>>
    %dma_start3A_60 = tpu.memref_squeeze %dma_start3A_59 : memref<1x50x1000xf32, #tpu.memory_space<hbm>> -> memref<50x1000xf32, #tpu.memory_space<hbm>>
    tpu.enqueue_dma source(%arg7 : memref<50x1000xf32, #tpu.memory_space<vmem>>) target(%dma_start3A_60 : memref<50x1000xf32, #tpu.memory_space<hbm>>) target_semaphore(%arg11 : memref<!tpu.dma_semaphore, #tpu.memory_space<semaphore_mem>>)
    %dma_wait3A_61 = arith.constant 0 : i32
    %dma_wait3A_62 = arith.constant 0 : i32
    %dma_wait3A_63 = tpu.memref_slice %arg4[%mul3A_2, %dma_wait3A_61, %dma_wait3A_62] : memref<1024x50x1000xf32, #tpu.memory_space<hbm>> -> memref<1x50x1000xf32, #tpu.memory_space<hbm>>
    %dma_wait3A_64 = tpu.memref_squeeze %dma_wait3A_63 : memref<1x50x1000xf32, #tpu.memory_space<hbm>> -> memref<50x1000xf32, #tpu.memory_space<hbm>>
    %dma_wait3A_65 = arith.constant 0 : i32
    %dma_wait3A_66 = arith.constant 0 : i32
    %dma_wait3A_67 = tpu.memref_slice %arg4[%mul3A_2, %dma_wait3A_65, %dma_wait3A_66] : memref<1024x50x1000xf32, #tpu.memory_space<hbm>> -> memref<1x50x1000xf32, #tpu.memory_space<hbm>>
    %dma_wait3A_68 = tpu.memref_squeeze %dma_wait3A_67 : memref<1x50x1000xf32, #tpu.memory_space<hbm>> -> memref<50x1000xf32, #tpu.memory_space<hbm>>
    tpu.wait_dma2 semaphore(%arg11 : memref<!tpu.dma_semaphore, #tpu.memory_space<semaphore_mem>>) src(%arg7 : memref<50x1000xf32, #tpu.memory_space<vmem>>) dst(%dma_wait3A_68 : memref<50x1000xf32, #tpu.memory_space<hbm>>)
    return
  }
}

</mosaic_0001>

<sc_bundles>
// kernel: kernel.3.cloned.1.call-start
scs
__scs_entry_jumppad:
0x0: {  	(pc) =	sbr.rel $0x88, $3  }
0x1: {  	(tag) =	ssettag $0x0;
	lr =	simm.s32 $0x1  }
0x2: {  	[smem:$0x3F9F] =	sst lr;
	_ =	strace $0xD0000000  }
0x3: {  	_ = 	snop  }
0x4: {  	_ = 	snop  }
0x5: {  	_ = 	snop  }
0x6: {  	_ = 	snop  }
0x7: {  	_ = 	snop  }
__scs_overlays_trampoline_lowered:
0x8: {  	[smem:$0x3FAE] =	sst s0  }
0x9: {  	[smem:$0x3FAF] =	sst s1  }
0xa: {  	[smem:$0x3FB0] =	sst s2  }
0xb: {  	[smem:$0x3FB1] =	sst s3  }
0xc: {  	[smem:$0x3FB2] =	sst s4  }
0xd: {  	[smem:$0x3FB3] =	sst s5  }
0xe: {  	[smem:$0x3FB4] =	sst s6  }
0xf: {  	[smem:$0x3FB5] =	sst s7  }
0x10: {  	[smem:$0x3FB6] =	sst s8  }
0x11: {  	[smem:$0x3FB7] =	sst s9;
	s0 =	simm.s32 @!p0 $0x0  }
0x12: {  	s1 =	sld [smem:$0x3F9D];
	s0 =	simm.s32 @p0 $0x1  }
0x13: {  	[smem:$0x3FB8] =	sst s0;
	s0 =	simm.s32 @!p1 $0x0  }
0x14: {  	s2 =	sld [smem:$0x3F9C];
	s0 =	simm.s32 @p1 $0x1  }
0x15: {  	[smem:$0x3FB9] =	sst s0;
	s0 =	simm.s32 @!p2 $0x0  }
0x16: {  	s3 =	sld [smem:$0x3FDB];
	s0 =	simm.s32 @p2 $0x1  }
0x17: {  	s4 =	simm.s32 $0x1BF5;
	[smem:$0x3FBB] =	sst s0  }
0x18: {  	s0 =	sld [smem:$0x3F9E];
	_ =	swait.ge [sflag:s4], $0x0  }
0x19: {  	s7 =	sld [smem:$0x3F9F]  }
0x1a: {  	s8 =	sadd.s32 $0xFFFFE003, lr  }
0x1b: {  	s9 =	sadd.s32 $0xFFFFFEF7, lr;
	s5 =	simm.s32 $0xFFFFFFFF;
	p2 =	slt.u32 s8, $0xFFFFF086  }
0x1c: {  	p1 =	slt.u32 s9, $0xF7A;
	s5 =	simm.s32 @!p2 $0x0  }
0x1d: {  	s5 =	simm.s32 @p1 $0x1;
	p0 =	seq.s32 s7, s2  }
0x1e: {  	s7 =	smul.u32 @!p0 $0xF7A, s2;
	p2 =	seq.s32 @!p0 s5, $0x0  }
0x1f: {  	s9 =	smul.u32 $0xF7A, s1;
	s8 =	simm.s32 @!p0 $0x1BF5;
	p2 =	por !p2, p0  }
0x20: {  	[sflag:s8] =	ssyncset.s32 @!p0 $0xFFFFF086;
	s6 =	sadd.s32 @!p0 s3, s7;
	s7 =	simm.s32 @!p0 $0x108  }
0x21: {  	s3 =	sadd.s32 s3, s9;
	s6 =	sadd.s32 @!p0 $0x88, s6;
	s7 =	simm.s32 @p2 $0x1082  }
0x22: {  	[simem:s7], [sflag:s8] =	dma.local @!p0 [hbm:s6], $0xF7A  }
0x23: {  	s9 =	sor.u32 $0xD0000000, s2;
	s6 =	simm.s32 $0x108;
	_ =	swait.ge @!p0 [sflag:s8], $0x0  }
0x24: {  	s3 =	sadd.s32 $0x88, s3;
	s6 =	simm.s32 @!p1 $0x1082;
	[sflag:s4] =	ssyncset.s32 $0xFFFFF086  }
0x25: {  	[simem:s6], [sflag:s4] =	dma.local [hbm:s3], $0xF7A  }
0x26: {  	[smem:$0x3F9F] =	sst s1;
	(tag) =	ssettag s2;
	_ =	strace s9  }
0x27: {  	s1 =	sld [smem:$0x3FAF]  }
0x28: {  	s2 =	sld [smem:$0x3FB0]  }
0x29: {  	s4 =	sld [smem:$0x3FB2]  }
0x2a: {  	p0 =	seq.s32 s5, $0x0;
	s5 =	sld [smem:$0x3FB3]  }
0x2b: {  	s6 =	sld [smem:$0x3FB4]  }
0x2c: {  	s7 =	sld [smem:$0x3FB5]  }
0x2d: {  	s3 =	simm.s32 $0x108;
	s8 =	sld [smem:$0x3FB6]  }
0x2e: {  	s3 =	simm.s32 @!p0 $0x1082;
	s9 =	sld [smem:$0x3FB7]  }
0x2f: {  	lr =	sadd.s32 s0, s3;
	s0 =	sld [smem:$0x3FAE]  }
0x30: {  	s3 =	sld [smem:$0x3FB1]  }
0x31: {  	[smem:$0x3FBA] =	sst s10  }
0x32: {  	s10 =	sld [smem:$0x3FB8];
	_ =	sdelay $0x3  }
0x33: {  	p0 =	seq.s32 s10, $0x1;
	s10 =	sld [smem:$0x3FBA];
	_ =	sdelay $0x3  }
0x34: {  	[smem:$0x3FBA] =	sst s10  }
0x35: {  	s10 =	sld [smem:$0x3FB9];
	_ =	sdelay $0x3  }
0x36: {  	p1 =	seq.s32 s10, $0x1;
	s10 =	sld [smem:$0x3FBA];
	_ =	sdelay $0x3  }
0x37: {  	[smem:$0x3FBA] =	sst s10  }
0x38: {  	s10 =	sld [smem:$0x3FBB]  }
0x39: {  	_ = 	snop;
	(pc) =	sbr.ind lr, $3  }
0x3a: {  	_ = 	snop  }
0x3b: {  	_ = 	snop  }
0x3c: {  	p2 =	seq.s32 s10, $0x1;
	s10 =	sld [smem:$0x3FBA]  }
0x3d: {  	_ =	shalt  }
0x3e: {  	_ =	shalt  }
0x3f: {  	_ =	shalt  }
0x40: {  	_ =	shalt  }
0x41: {  	_ =	shalt  }
0x42: {  	_ =	shalt  }
0x43: {  	_ =	shalt  }
0x44: {  	_ =	shalt  }
0x45: {  	_ =	shalt  }
0x46: {  	_ =	shalt  }
0x47: {  	_ =	shalt  }
0x48: {  	_ =	shalt  }
0x49: {  	_ =	shalt  }
0x4a: {  	_ =	shalt  }
0x4b: {  	_ =	shalt  }
0x4c: {  	_ =	shalt  }
0x4d: {  	_ =	shalt  }
0x4e: {  	_ =	shalt  }
0x4f: {  	_ =	shalt  }
0x50: {  	_ =	shalt  }
0x51: {  	_ =	shalt  }
0x52: {  	_ =	shalt  }
0x53: {  	_ =	shalt  }
0x54: {  	_ =	shalt  }
0x55: {  	_ =	shalt  }
0x56: {  	_ =	shalt  }
0x57: {  	_ =	shalt  }
0x58: {  	_ =	shalt  }
0x59: {  	_ =	shalt  }
0x5a: {  	_ =	shalt  }
0x5b: {  	_ =	shalt  }
0x5c: {  	_ =	shalt  }
0x5d: {  	_ =	shalt  }
0x5e: {  	_ =	shalt  }
0x5f: {  	_ =	shalt  }
0x60: {  	_ =	shalt  }
0x61: {  	_ =	shalt  }
0x62: {  	_ =	shalt  }
0x63: {  	_ =	shalt  }
0x64: {  	_ =	shalt  }
0x65: {  	_ =	shalt  }
0x66: {  	_ =	shalt  }
0x67: {  	_ =	shalt  }
0x68: {  	_ =	shalt  }
0x69: {  	_ =	shalt  }
0x6a: {  	_ =	shalt  }
0x6b: {  	_ =	shalt  }
0x6c: {  	_ =	shalt  }
0x6d: {  	_ =	shalt  }
0x6e: {  	_ =	shalt  }
0x6f: {  	_ =	shalt  }
0x70: {  	_ =	shalt  }
0x71: {  	_ =	shalt  }
0x72: {  	_ =	shalt  }
0x73: {  	_ =	shalt  }
0x74: {  	_ =	shalt  }
0x75: {  	_ =	shalt  }
0x76: {  	_ =	shalt  }
0x77: {  	_ =	shalt  }
0x78: {  	_ =	shalt  }
0x79: {  	_ =	shalt  }
0x7a: {  	_ =	shalt  }
0x7b: {  	_ =	shalt  }
0x7c: {  	_ =	shalt  }
0x7d: {  	_ =	shalt  }
0x7e: {  	_ =	shalt  }
0x7f: {  	_ =	shalt  }
0x80: {  	_ =	shalt  }
0x81: {  	_ =	shalt  }
0x82: {  	_ =	shalt  }
0x83: {  	_ =	shalt  }
0x84: {  	_ =	shalt  }
0x85: {  	_ =	shalt  }
0x86: {  	_ =	shalt  }
0x87: {  	_ =	shalt  }
.Lfunc_end0:
.L_simem_size_0:
called_computation.1_lowered:
.L_overlay_start_0:
0x88: {  	s2 =	sld [smem:$0x3FD9]  }
0x89: {  	s3 =	sld [smem:$0x3FFE];
	_ =	sdelay $0x1  }
0x8a: {  	s1 =	srdreg.scid  }
0x8b: {  	s0 =	sand.u32 $0x1, s1  }
0x8c: {  	s17 =	sshll.u32 s0, $0xA;
	s2 =	sadd.s32 s3, s2  }
0x8d: {  	s2 =	sadd.s32 s2, s17  }
0x8e: {  	[smem:$0x3FC6] =	sst s2  }
0x8f: {  	_ = 	snop  }
0x90: {  	s2 =	sld [smem:$0x3FD0];
	(tm) =	ssettm $0x1  }
0x91: {  	s18 =	sld [smem:$0x3FFB];
	_ =	sdelay $0x3  }
0x92: {  	_ =	strace s18  }
0x93: {  	s3 =	sld [smem:$0x3FFC];
	_ =	sdelay $0x3  }
0x94: {  	_ =	strace s3  }
0x95: {  	s3 =	sld [smem:$0x3FFD];
	_ =	sdelay $0x3  }
0x96: {  	_ =	strace s3  }
0x97: {  	_ =	strace $0x8FFFFFFF  }
0x98: {  	s19 =	sld [smem:$0x3FDB];
	_ =	sdelay $0x1  }
0x99: {  	s4 =	simm.s32 $_scs_section_size  }
0x9a: {  	s5 =	simm.s32 $_size__tile_overlayer_lowered;
	s6 =	simm.s32 $_tile_overlayer_lowered  }
0x9b: {  	s22 =	simm.s32 $0x1BFF;
	s21 =	sshll.u32 s6, $0x1;
	s3 =	sadd.s32 s4, s19  }
0x9c: {  	s7 =	simm.s32 $0x0;
	s20 =	sshll.u32 s5, $0x1;
	s5 =	sadd.s32 s21, s3  }
0x9d: {  	[timem:s7], [sflag:s22] =	dma.local [hbm:s5], s20  }
0x9e: {  	_ =	swait.ge [sflag:s22], s20  }
0x9f: {  	s4 =	ssub.s32 $0x0, s20;
	[sflag:s22] =	ssyncset.done $0x0  }
0xa0: {  	[sflag:s22] =	ssyncadd.s32 s4;
	_ =	sdelay $0x1  }
0xa1: {  	s23 =	simm.s32 $0x1B8B  }
0xa2: {  	_ =	swait.ge [sflag:s23], $0x1  }
0xa3: {  	[sflag:s23] =	ssyncset.done $0x0  }
0xa4: {  	s25 =	simm.s32 $0x1B8E;
	s24 =	sld [smem:$0x3FFE];
	[sflag:s23] =	ssyncadd.s32 $0xFFFFFFFF  }
0xa5: {  	s26 =	simm.s32 $execute0_lowered;
	[smem:$0x3FD2] =	sst s25  }
0xa6: {  	s5 =	sshll.u32 s26, $0x1;
	_ =	strace $0x80000046;
	[dreg:$0x1] =	wrdreg $0xFFFFFFFF  }
0xa7: {  	s28 =	simm.s32 $_size_execute0_lowered;
	s3 =	sadd.s32 s3, s5;
	[dreg:$0x0] =	wrdreg $0x0  }
0xa8: {  	s5 =	sshll.u32 s28, $0x1;
	[dreg:$0x2] =	wrdreg s3  }
0xa9: {  	[dreg:$0x3] =	wrdreg s5  }
0xaa: {  	[dreg:$0x4] =	wrdreg $0xC0  }
0xab: {  	_ =	task [dreg:s7], $0x5FFFF  }
0xac: {  	[dreg:$0x1] =	wrdreg $0xFFFFFFFF  }
0xad: {  	[dreg:$0x0] =	wrdreg $0x60  }
0xae: {  	[dreg:$0x2] =	wrdreg s24  }
0xaf: {  	[dreg:$0x3] =	wrdreg s2  }
0xb0: {  	[dreg:$0x4] =	wrdreg $0x9  }
0xb1: {  	_ =	task.clear_ibuf [dreg:s7], $0x5FFFF;
	_ =	strace $0x90000046  }
0xb2: {  	s29 =	simm.s32 $0x9;
	_ =	strace $0x80000048  }
0xb3: {  	_ =	swait.ge [sflag:s29], $0x1  }
0xb4: {  	[sflag:s29] =	ssyncadd.s32 $0xFFFFFFFF  }
0xb5: {  	_ =	strace $0x90000048  }
0xb6: {  	_ =	sfence  }
0xb7: {  	s30 =	sld [smem:$0x0];
	_ =	sdelay $0x2  }
0xb8: {  	s31 =	sshll.u32 s1, $0xD;
	s1 =	sshrl.u32 s1, $0x2  }
0xb9: {  	s3 =	sand.u32 $0x4000, s31;
	s1 =	sadd.s32 s1, s30  }
0xba: {  	s0 =	sor.u32 s3, s0;
	s1 =	sshll.u32 s1, $0x11  }
0xbb: {  	s0 =	sor.u32 s1, s0  }
0xbc: {  	s0 =	sadd.s32 $0x8F2B, s0  }
0xbd: {  	[sflag:s0] =	ssyncadd.remote.s32 $0x1  }
0xbe: {  	_ =	sfence.sel $0xFFFF  }
0xbf: {  	[dreg:$0x0] =	wrdreg $0xFFFFFFFF;
	(pc) =	sbr.abs _section_cstart, $3  }
0xc0: {  	[dreg:$0x1] =	wrdreg $0xFFFFFFFF  }
0xc1: {  	_ =	task.clear_ibuf [dreg:s7], $0x2FFFF;
	_ =	strace $0x9FFFFFFF  }
0xc2: {  	(tm) =	ssettm $0x7FFFFFFF  }
0xc3: {  	_ =	shalt  }
tec
execute0_lowered:
.L_overlay_start_1:
0x0: {  	(tag) =	ssettag $0x1  }
0x1: {  	s1 =	srdreg.scid;
	s3 =	rddreg [dreg:$0x0]  }
0x2: {  	s0 =	stileid.u32;
	s5 =	rddreg [dreg:$0x1];
	s2 =	simm.s32 $0x0  }
0x3: {  	s12 =	simm.s32 $0x38;
	s13 =	simm.s32 $0xCA50;
	s14 =	simm.s32 $0x1  }
0x4: {  	s15 =	simm.s32 $0x3;
	s16 =	simm.s32 $0x2;
	s17 =	simm.s32 $0x4  }
0x5: {  	s18 =	simm.s32 $0x0;
	s4 =	sand.u32 $0x1, s1;
	s6 =	sshll.u32 s0, $0x6  }
0x6: {  	s1 =	rddreg [dreg:$0x2];
	s11 =	smul.u32 $0x61A80, s0;
	s7 =	sshll.u32 s4, $0x5  }
0x7: {  	[smem:$0x7FF] =	sst s2;
	s29 =	smul.u32 $0x30D40, s4;
	s6 =	sor.u32 s7, s6  }
0x8: {  	_ =	strace $0x80000047;
	s9 =	ssub.s32 $0x2, s4;
	s7 =	smul.u32 $0x7, s6  }
0x9: {  	s10 =	sshrl.u32 s9, $0x1;
	s30 =	sadd.s32 s11, s5;
	s8 =	smul.u32 $0x186A, s6  }
0xa: {  	s11 =	simm.s32 $0x700;
	s6 =	smul.u32 $0xC350, s6;
	s9 =	ssub.s32 s9, s10  }
0xb: {  	s31 =	sadd.s32 s29, s30;
	s10 =	simm.s32 $0x32;
	s7 =	sadd.s32 s7, s3  }
0xc: {  	s3 =	sadd.s32 $0x2400, s3;
	s6 =	sshrl.u32 s6, $0x3;
	s4 =	sadd.s32 $0x800, s7  }
0xd: {  	s6 =	sadd.s32 s5, s6;
	s5 =	sadd.s32 s5, s8;
	s7 =	smax.u32 s9, $0x1  }
0xe: {  	s8 =	sadd.s32 $0x186A, s31;
	s9 =	simm.s32 $0x5;
	s6 =	sadd.s32 $0x2F4D6, s6  }
.LBB2_1:
0xf: {  	[tilespmem:s2], [sflag:$0x5] =	stream.linear.gather [hbm4b:s4+s2], $0x700, $0x38;
	[tilespmem:$0x18DA0] =	vst v63  }
0x10: {  	_ =	swait.ge [sflag:s9], $0x700  }
0x11: {  	[sflag:s9] =	ssyncset.done $0x0  }
0x12: {  	[sflag:s9] =	ssyncadd.s32 $0xFFFFF900  }
0x13: {  	[tilespmem:s11], [sflag:$0x1] =	stream.indirect.gather [hbm4b:s3+s10], $0x3E8, s2, s10, $0xb8;
	[tilespmem:$0x18DA0] =	vst v63  }
0x14: {  	_ = 	snop  }
0x15: {  	[tilespmem:s13], [sflag:$0x2] =	stream.indirect.gather [hbm4b:s3+s10], $0x3E8, s12, s10, $0xb8;
	[tilespmem:$0x18DA0] =	vst v63  }
0x16: {  	_ =	swait.ge [sflag:s14], $0xC350  }
0x17: {  	[sflag:s14] =	ssyncset.done $0x0  }
0x18: {  	[sflag:s14] =	ssyncadd.s32 $0xFFFF3CB0  }
0x19: {  	[hbm4b:s5+s2] =	stream.linear.scatter [tilespmem:s11], [sflag:$0x3], $0xC350, $0x38;
	[tilespmem:$0x18DA0] =	vst v63  }
0x1a: {  	_ =	swait.ge [sflag:s15], $0xC350  }
0x1b: {  	[sflag:s15] =	ssyncset.done $0x0  }
0x1c: {  	s19 =	simm.s32 $0x70;
	[sflag:s15] =	ssyncadd.s32 $0xFFFF3CB0  }
0x1d: {  	[tilespmem:s11], [sflag:$0x1] =	stream.indirect.gather [hbm4b:s3+s10], $0x3E8, s19, s10, $0xb8;
	[tilespmem:$0x18DA0] =	vst v63  }
0x1e: {  	_ =	swait.ge [sflag:s16], $0xC350  }
0x1f: {  	[sflag:s16] =	ssyncset.done $0x0  }
0x20: {  	[sflag:s16] =	ssyncadd.s32 $0xFFFF3CB0  }
0x21: {  	[hbm4b:s8+s2] =	stream.linear.scatter [tilespmem:s13], [sflag:$0x4], $0xC350, $0x38;
	[tilespmem:$0x18DA0] =	vst v63  }
0x22: {  	_ =	swait.ge [sflag:s17], $0xC350  }
0x23: {  	[sflag:s17] =	ssyncset.done $0x0  }
0x24: {  	s31 =	simm.s32 $0xA8;
	[sflag:s17] =	ssyncadd.s32 $0xFFFF3CB0  }
0x25: {  	[tilespmem:s13], [sflag:$0x2] =	stream.indirect.gather [hbm4b:s3+s10], $0x3E8, s31, s10, $0xb8;
	[tilespmem:$0x18DA0] =	vst v63  }
0x26: {  	_ =	swait.ge [sflag:s14], $0xC350  }
0x27: {  	s21 =	sadd.s32 $0x186A, s8;
	[sflag:s14] =	ssyncset.done $0x0  }
0x28: {  	s20 =	sadd.s32 $0x30D4, s8;
	s19 =	simm.s32 $0x1C0;
	[sflag:s14] =	ssyncadd.s32 $0xFFFF3CB0  }
.LBB2_2:
0x29: {  	[hbm4b:s21+s2] =	stream.linear.scatter [tilespmem:s11], [sflag:$0x3], $0xC350, $0x38;
	[tilespmem:$0x18DA0] =	vst v63  }
0x2a: {  	s21 =	smov.u32 s19  }
0x2b: {  	p0 =	sne.s32 s19, $0x1880;
	s19 =	sadd.s32 $0x1C0, s19;
	_ =	swait.ge [sflag:s15], $0xC350  }
0x2c: {  	s21 =	sshra.s32 s21, $0x2;
	[sflag:s15] =	ssyncset.done $0x0  }
0x2d: {  	s22 =	sadd.s32 $0x70, s21;
	[sflag:s15] =	ssyncadd.s32 $0xFFFF3CB0  }
0x2e: {  	[tilespmem:s11], [sflag:$0x1] =	stream.indirect.gather [hbm4b:s3+s10], $0x3E8, s22, s10, $0xb8;
	[tilespmem:$0x18DA0] =	vst v63  }
0x2f: {  	_ =	swait.ge [sflag:s16], $0xC350  }
0x30: {  	[sflag:s16] =	ssyncset.done $0x0  }
0x31: {  	[sflag:s16] =	ssyncadd.s32 $0xFFFF3CB0  }
0x32: {  	[hbm4b:s20+s2] =	stream.linear.scatter [tilespmem:s13], [sflag:$0x4], $0xC350, $0x38;
	[tilespmem:$0x18DA0] =	vst v63  }
0x33: {  	_ =	swait.ge [sflag:s17], $0xC350  }
0x34: {  	[sflag:s17] =	ssyncset.done $0x0  }
.Ltmp0:
0x35: {  	s21 =	sadd.s32 $0xA8, s21;
	[sflag:s17] =	ssyncadd.s32 $0xFFFF3CB0;
	(pc) =	sbr.rel @p0 .LBB2_2-.Ltmp0, $4  }
0x36: {  	[tilespmem:s13], [sflag:$0x2] =	stream.indirect.gather [hbm4b:s3+s10], $0x3E8, s21, s10, $0xb8;
	[tilespmem:$0x18DA0] =	vst v63  }
0x37: {  	_ =	swait.ge [sflag:s14], $0xC350  }
0x38: {  	[sflag:s14] =	ssyncset.done $0x0  }
0x39: {  	s21 =	sadd.s32 $0x186A, s20;
	s20 =	sadd.s32 $0x30D4, s20;
	[sflag:s14] =	ssyncadd.s32 $0xFFFF3CB0  }
0x3a: {  	[hbm4b:s21+s2] =	stream.linear.scatter [tilespmem:s11], [sflag:$0x3], $0xC350, $0x38;
	[tilespmem:$0x18DA0] =	vst v63  }
0x3b: {  	_ =	swait.ge [sflag:s15], $0xC350  }
0x3c: {  	[sflag:s15] =	ssyncset.done $0x0  }
0x3d: {  	[sflag:s15] =	ssyncadd.s32 $0xFFFF3CB0  }
0x3e: {  	s18 =	sadd.s32 $0x1, s18;
	_ =	swait.ge [sflag:s16], $0xC350  }
0x3f: {  	p0 =	sne.s32 s18, s7;
	[sflag:s16] =	ssyncset.done $0x0  }
.Ltmp1:
0x40: {  	[sflag:s16] =	ssyncadd.s32 $0xFFFF3CB0;
	(pc) =	sbr.rel @p0 .LBB2_1-.Ltmp1, $4  }
0x41: {  	[hbm4b:s6+s2] =	stream.linear.scatter [tilespmem:s13], [sflag:$0x4], $0xC350, $0x38;
	[tilespmem:$0x18DA0] =	vst v63  }
0x42: {  	_ =	swait.ge [sflag:s17], $0xC350  }
0x43: {  	[sflag:s17] =	ssyncset.done $0x0  }
0x44: {  	[sflag:s17] =	ssyncadd.s32 $0xFFFF3CB0  }
0x45: {  	_ =	sfence.sel $0x180000  }
0x46: {  	[bflag:$0x0] =	sbarrier.arrive $0xFFFF  }
0x47: {  	p0 =	sne.s32 s0, $0x0;
	_ =	strace $0x90000047  }
0x48: {  	s0 =	sadd.s32 @!p0 $0x100000, s1;
	[bflag:$0x2] =	sbarrier.arrive $0xFFFF  }
0x49: {  	[sflag:s0] =	ssyncadd.tile.s32 @!p0 $0x1;
	_ =	shalt  }
.Lfunc_end2:
_tile_overlayer_lowered:
.L_overlay_start_2:
0x4a: {  	(tag) =	ssettag $0x2  }
0x4b: {  	s0 =	rddreg [dreg:$0x0];
	s2 =	stileid.u32  }
0x4c: {  	s1 =	rddreg [dreg:$0x1];
	p0 =	sne.s32 s2, $0x0  }
0x4d: {  	s3 =	rddreg [dreg:$0x2];
	[bflag:$0x3] =	sbarrier.arrive $0xFFFF;
	s2 =	simm.s32 @!p0 $0x1C05  }
0x4e: {  	[timem:s3], [sflag:s2] =	dma.local @!p0 [hbm:s0], s1  }
0x4f: {  	s0 =	simm.s32 @!p0 $0x5  }
0x50: {  	_ =	swait.ge @!p0 [sflag:s0], s1  }
0x51: {  	s1 =	ssub.s32 @!p0 $0x0, s1;
	[sflag:s0] =	ssyncset.done @!p0 $0x0  }
0x52: {  	[sflag:s0] =	ssyncadd.s32 @!p0 s1  }
0x53: {  	[bflag:$0x3] =	sbarrier.arrive $0xFFFF  }
0x54: {  	_ =	shalt  }

// kernel: sparse-core-data-format-call.cloned.1.call-start
scs
called_computation_lowered:
.L_overlay_start_0:
0x0: {  	s2 =	sld [smem:$0x3FD9]  }
0x1: {  	s3 =	sld [smem:$0x3FFE];
	_ =	sdelay $0x1  }
0x2: {  	s1 =	srdreg.scid  }
0x3: {  	s0 =	sand.u32 $0x1, s1  }
0x4: {  	s18 =	sshll.u32 s0, $0xA;
	s2 =	sadd.s32 s3, s2  }
0x5: {  	s2 =	sadd.s32 s2, s18  }
0x6: {  	[smem:$0x3FC6] =	sst s2  }
0x7: {  	_ = 	snop  }
0x8: {  	s2 =	sld [smem:$0x3FD0];
	(tm) =	ssettm $0x1  }
0x9: {  	s19 =	sld [smem:$0x3FFB];
	_ =	sdelay $0x3  }
0xa: {  	_ =	strace s19  }
0xb: {  	s3 =	sld [smem:$0x3FFC];
	_ =	sdelay $0x3  }
0xc: {  	_ =	strace s3  }
0xd: {  	s3 =	sld [smem:$0x3FFD];
	_ =	sdelay $0x3  }
0xe: {  	_ =	strace s3  }
0xf: {  	_ =	strace $0x8FFFFFFF  }
0x10: {  	s20 =	sld [smem:$0x3FDB];
	_ =	sdelay $0x1  }
0x11: {  	s4 =	simm.s32 $_scs_section_size  }
0x12: {  	s5 =	simm.s32 $_size__tile_overlayer_lowered;
	s6 =	simm.s32 $_tile_overlayer_lowered  }
0x13: {  	s23 =	simm.s32 $0x1BFF;
	s22 =	sshll.u32 s6, $0x1;
	s3 =	sadd.s32 s4, s20  }
0x14: {  	s7 =	simm.s32 $0x0;
	s21 =	sshll.u32 s5, $0x1;
	s5 =	sadd.s32 s22, s3  }
0x15: {  	[timem:s7], [sflag:s23] =	dma.local [hbm:s5], s21  }
0x16: {  	_ =	swait.ge [sflag:s23], s21  }
0x17: {  	s4 =	ssub.s32 $0x0, s21;
	[sflag:s23] =	ssyncset.done $0x0  }
0x18: {  	[sflag:s23] =	ssyncadd.s32 s4;
	_ =	sdelay $0x1  }
0x19: {  	s24 =	simm.s32 $0x1B8B  }
0x1a: {  	_ =	swait.ge [sflag:s24], $0x1  }
0x1b: {  	[sflag:s24] =	ssyncset.done $0x0  }
0x1c: {  	s26 =	simm.s32 $0x1B8E;
	s25 =	sld [smem:$0x3FFE];
	[sflag:s24] =	ssyncadd.s32 $0xFFFFFFFF  }
0x1d: {  	s27 =	simm.s32 $execute0_lowered;
	[smem:$0x3FD2] =	sst s26  }
0x1e: {  	s5 =	sshll.u32 s27, $0x1;
	_ =	strace $0x80000049;
	[dreg:$0x1] =	wrdreg $0xFFFFFFFF  }
0x1f: {  	s28 =	simm.s32 $_size_execute0_lowered;
	s3 =	sadd.s32 s3, s5;
	[dreg:$0x0] =	wrdreg $0x0  }
0x20: {  	s5 =	sshll.u32 s28, $0x1;
	[dreg:$0x2] =	wrdreg s3  }
0x21: {  	[dreg:$0x3] =	wrdreg s5  }
0x22: {  	[dreg:$0x4] =	wrdreg $0xC0  }
0x23: {  	_ =	task [dreg:s7], $0x5FFFF  }
0x24: {  	[dreg:$0x1] =	wrdreg $0xFFFFFFFF  }
0x25: {  	[dreg:$0x0] =	wrdreg $0x60  }
0x26: {  	[dreg:$0x2] =	wrdreg s25  }
0x27: {  	[dreg:$0x3] =	wrdreg s2  }
0x28: {  	[dreg:$0x4] =	wrdreg $0x9  }
0x29: {  	_ =	task.clear_ibuf [dreg:s7], $0x5FFFF;
	_ =	strace $0x90000049  }
0x2a: {  	s29 =	simm.s32 $0x9;
	_ =	strace $0x8000004B  }
0x2b: {  	_ =	swait.ge [sflag:s29], $0x1  }
0x2c: {  	[sflag:s29] =	ssyncadd.s32 $0xFFFFFFFF  }
0x2d: {  	_ =	strace $0x9000004B  }
0x2e: {  	_ =	sfence  }
0x2f: {  	s30 =	sld [smem:$0x0];
	_ =	sdelay $0x2  }
0x30: {  	s31 =	sshll.u32 s1, $0xD;
	s1 =	sshrl.u32 s1, $0x2  }
0x31: {  	s3 =	sand.u32 $0x4000, s31;
	s1 =	sadd.s32 s1, s30  }
0x32: {  	s0 =	sor.u32 s3, s0;
	s1 =	sshll.u32 s1, $0x11  }
0x33: {  	s0 =	sor.u32 s1, s0  }
0x34: {  	s0 =	sadd.s32 $0x8F2B, s0  }
0x35: {  	[sflag:s0] =	ssyncadd.remote.s32 $0x1  }
0x36: {  	_ =	sfence.sel $0xFFFF  }
0x37: {  	[dreg:$0x0] =	wrdreg $0xFFFFFFFF;
	(pc) =	sbr.abs _section_cstart, $3  }
0x38: {  	[dreg:$0x1] =	wrdreg $0xFFFFFFFF  }
0x39: {  	_ =	task.clear_ibuf [dreg:s7], $0x2FFFF;
	_ =	strace $0x9FFFFFFF  }
0x3a: {  	(tm) =	ssettm $0x7FFFFFFF  }
0x3b: {  	_ =	shalt  }
tec
execute0_lowered:
.L_overlay_start_1:
0x0: {  	(tag) =	ssettag $0x1  }
0x1: {  	s4 =	rddreg [dreg:$0x0]  }
0x2: {  	s0 =	stileid.u32;
	s2 =	rddreg [dreg:$0x1]  }
0x3: {  	s7 =	srdreg.scid;
	s31 =	simm.s32 $0x2;
	s17 =	simm.s32 $0x0  }
0x4: {  	s9 =	simm.s32 $0x2000;
	s19 =	simm.s32 $0x0;
	s18 =	simm.s32 $0x0  }
0x5: {  	s10 =	simm.s32 $0x0;
	s11 =	simm.s32 $0x0;
	s1 =	sshll.u32 s0, $0x7  }
0x6: {  	s12 =	simm.s32 $0x0;
	s14 =	simm.s32 $0x0;
	s3 =	sand.u32 $0x380, s1  }
0x7: {  	s16 =	simm.s32 $0x0;
	s4 =	sadd.s32 $0x800, s4;
	s5 =	ssub.s32 $0x400, s3  }
0x8: {  	s8 =	sshll.u32 s0, $0x4;
	s7 =	sshll.u32 s7, $0x8;
	s6 =	sand.u32 $0x380, s5  }
0x9: {  	s1 =	rddreg [dreg:$0x2];
	p0 =	sne.s32 s6, $0x0;
	s6 =	simm.s32 $0x1  }
.Ltmp0:
0xa: {  	s5 =	sshrl.u32 s5, $0xA;
	s6 =	simm.s32 @!p0 $0x0;
	(pc) =	sbr.rel .LBB1_1-.Ltmp0, $4  }
0xb: {  	_ =	strace $0x8000004A;
	s7 =	sor.u32 s8, s7;
	s6 =	sadd.s32 s6, s5  }
0xc: {  	s7 =	sand.u32 $0x180, s7;
	s5 =	simm.s32 $0x1;
	s6 =	smul.u32 $0x64, s6  }
0xd: {  	s15 =	smov.u32 s3;
	s13 =	smov.u32 s7;
	[sflag:s5] =	ssyncpa.u1 $0x0  }
0xe: {  	p0 =	por $0x0, $0x0;
	[sflag:s31] =	ssyncpa.u1 $0x0;
	s8 =	sor.u32 $0x1, s6  }
.LBB1_4:
0xf: {  	s25 =	sshll.u32 s10, $0xA;
	s24 =	sshra.s32 s24, $0x2;
	s26 =	sshll.u32 s12, $0x3  }
0x10: {  	p1 =	sgt.s32 s11, $0x31;
	s27 =	smov.u32 s11;
	s28 =	sshra.s32 s11, $0x1F  }
0x11: {  	p2 =	sgt.s32 s12, $0x380;
	s31 =	sshra.s32 s12, $0x1F;
	s25 =	sand.u32 $0xFFFFE000, s25  }
0x12: {  	s26 =	sand.u32 $0xFFFFFC00, s26;
	s27 =	simm.s32 @!p1 $0x31;
	s28 =	sand.u32 s28, s11  }
0x13: {  	[tilespmem:s22+$0x2040 ss:$0x81] =	vst.msk $0xffff, v4;
	s23 =	sadd.s32 s24, s23;
	s29 =	sadd.s32 s26, s25;
	s25 =	ssub.s32 s27, s28  }
0x14: {  	[tilespmem:s22+$0x2850 ss:$0x81] =	vst.msk $0xffff, v3;
	s27 =	smov.u32 s12;
	s28 =	smov.u32 s10;
	s26 =	sand.u32 s31, s12  }
0x15: {  	[tilespmem:s22+$0x3060 ss:$0x81] =	vst.msk $0xffff, v2;
	s24 =	sshrl.u32 s29, $0xA;
	s30 =	sadd.s32 $0xFFFFFFCF, s25;
	s27 =	simm.s32 @!p2 $0x380  }
0x16: {  	v5 =	vld [tilespmem:s21+$0xFFFFFFD0];
	[tilespmem:s22+$0x0 ss:$0x81] =	vst.msk $0xffff, v1;
	p2 =	sgt.s32 s10, $0x368;
	s29 =	sshra.s32 s10, $0x1F;
	s22 =	ssub.s32 $0x32, s25  }
0x17: {  	v58 =	vld [tilespmem:s21+$0xFFFFFFE0];
	p1 =	sgt.s32 s30, $0x0;
	s28 =	simm.s32 @!p2 $0x368;
	s29 =	sand.u32 s29, s10  }
0x18: {  	v59 =	vld [tilespmem:s21+$0xFFFFFFF0];
	s26 =	ssub.s32 s27, s26;
	s27 =	smulhi.u32 $0x418938, s24;
	s28 =	ssub.s32 s28, s29  }
0x19: {  	v60 =	vld [tilespmem:s21+$0x0];
	s30 =	sadd.s32 $0xFFFFFC80, s26;
	s25 =	ssub.s32 $0x400, s26;
	s22 =	simm.s32 @p1 $0x0  }
0x1a: {  	v61 =	vld [tilespmem:s21+$0x10];
	[tilespmem:s23+$0x3870 ss:$0x81] =	vst.msk $0xffff, v0;
	s29 =	sand.u32 $0x78, s12;
	p2 =	sgt.s32 s30, $0x7F;
	s31 =	sadd.s32 $0xFFFFFC98, s28  }
0x1b: {  	v62 =	vld [tilespmem:s21+$0x20];
	[tilespmem:s23+$0x810 ss:$0x81] =	vst.msk $0xffff, v5;
	s27 =	smul.u32 $0x3E8, s27;
	s30 =	sshll.u32 s10, $0x7;
	s28 =	ssub.s32 $0x3E8, s28  }
0x1c: {  	v63 =	vld [tilespmem:s21+$0xFFFFFFC0];
	[tilespmem:s23+$0x1020 ss:$0x81] =	vst.msk $0xffff, v58;
	s25 =	simm.s32 @p2 $0x0;
	p1 =	sgt.s32 s31, $0x7F;
	s31 =	smul.u32 $0x1F400, s11  }
0x1d: {  	[tilespmem:s23+$0x1830 ss:$0x81] =	vst.msk $0xffff, v59;
	s21 =	sand.u32 $0x380, s30;
	s22 =	smul.u32 s25, s22;
	s28 =	simm.s32 @p1 $0x0  }
0x1e: {  	[tilespmem:s23+$0x2040 ss:$0x81] =	vst.msk $0xffff, v60;
	s21 =	sor.u32 s29, s21;
	s24 =	ssub.s32 s24, s27;
	s29 =	sand.u32 $0x7, s12  }
0x1f: {  	[tilespmem:s23+$0x2850 ss:$0x81] =	vst.msk $0xffff, v61;
	s21 =	sshrl.u32 s21, $0x3;
	s25 =	sadd.s32 s2, s31;
	s22 =	smul.u32 s28, s22  }
0x20: {  	[tilespmem:s23+$0x3060 ss:$0x81] =	vst.msk $0xffff, v62;
	s24 =	sshll.u32 s24, $0x7;
	s30 =	sshll.u32 s29, $0x12;
	s21 =	sadd.s32 s21, s25  }
0x21: {  	[tilespmem:s23+$0x0 ss:$0x81] =	vst.msk $0xffff, v63;
	s31 =	sor.u32 $0x400, s30;
	s21 =	sadd.s32 s24, s21;
	s22 =	sand.u32 $0x3FFFFFFF, s22  }
0x22: {  	[hbm4b:s21+s31] =	stream.strided.scatter [tilespmem:s20], [sflag:$0x2], s22, s9, s31, $0x20;
	[tilespmem:$0x10100] =	vst v63  }
.LBB1_5:
0x23: {  	p1 =	slt.u32 s16, $0x2  }
0x24: {  	p2 =	sgt.s32 @!p1 s19, $0x31  }
0x25: {  	s20 =	smov.u32 s19;
	s21 =	sshra.s32 @!p1 s19, $0x1F;
	p2 =	por !p2, p1  }
0x26: {  	s19 =	sand.u32 @!p1 s21, s19;
	s20 =	simm.s32 @p2 $0x31  }
0x27: {  	p3 =	sgt.s32 @!p1 s17, $0x368;
	s19 =	ssub.s32 @!p1 s20, s19  }
0x28: {  	p4 =	sgt.s32 @!p1 s18, $0x380;
	s22 =	sshra.s32 @!p1 s18, $0x1F;
	s20 =	sadd.s32 @!p1 $0xFFFFFFCF, s19  }
0x29: {  	s21 =	smov.u32 s17;
	p2 =	sgt.s32 @!p1 s20, $0x0;
	s20 =	sshra.s32 @!p1 s17, $0x1F  }
0x2a: {  	p4 =	por !p4, p1;
	s17 =	sand.u32 @!p1 s20, s17;
	s20 =	smov.u32 s18  }
0x2b: {  	p3 =	por !p3, p1;
	s18 =	sand.u32 @!p1 s22, s18;
	s20 =	simm.s32 @p4 $0x380  }
0x2c: {  	s21 =	simm.s32 @p3 $0x368;
	s19 =	ssub.s32 @!p1 $0x32, s19;
	s18 =	ssub.s32 @!p1 s20, s18  }
0x2d: {  	p2 =	por !p2, p1;
	s17 =	ssub.s32 @!p1 s21, s17;
	s21 =	sadd.s32 @!p1 $0xFFFFFC80, s18  }
0x2e: {  	s19 =	simm.s32 @!p2 $0x0;
	p3 =	sgt.s32 @!p1 s21, $0x7F  }
0x2f: {  	s20 =	sadd.s32 @!p1 $0xFFFFFC98, s17;
	s18 =	ssub.s32 @!p1 $0x400, s18;
	p3 =	por !p3, p1  }
0x30: {  	p2 =	sgt.s32 @!p1 s20, $0x7F;
	s20 =	sadd.s32 $0x200, s13;
	s18 =	simm.s32 @!p3 $0x0  }
0x31: {  	p3 =	sgt.s32 s20, $0x3E7;
	s18 =	smul.u32 @!p1 s18, s19;
	s19 =	simm.s32 $0x1  }
0x32: {  	s17 =	ssub.s32 @!p1 $0x3E8, s17;
	p2 =	por !p2, p1;
	s19 =	simm.s32 @!p3 $0x0  }
0x33: {  	s22 =	smov.u32 s15;
	s17 =	simm.s32 @!p2 $0x0;
	s21 =	sadd.s32 s19, s14  }
0x34: {  	s17 =	smul.u32 @!p1 s17, s18;
	s18 =	sadd.s32 $0x400, s15;
	p2 =	sgt.s32 s21, $0x31  }
0x35: {  	p0 =	por !p0, !p0;
	s23 =	simm.s32 @!p1 $0x2;
	s22 =	smov.u32 @p2 s18  }
0x36: {  	s20 =	smov.u32 @p3 s7;
	s21 =	simm.s32 @p2 $0x0;
	p2 =	sgt.s32 s22, $0x3FF  }
0x37: {  	s19 =	smov.u32 s11;
	s22 =	smov.u32 @p2 s3;
	p2 =	sne.s32 s16, s8  }
.Ltmp1:
0x38: {  	s11 =	smov.u32 s14;
	s17 =	sand.u32 @!p1 $0x3FFFFFFF, s17;
	(pc) =	sbr.rel @!p2 .LBB1_6-.Ltmp1, $4  }
0x39: {  	s18 =	smov.u32 s12;
	s12 =	smov.u32 s15;
	_ =	swait.ge @!p1 [sflag:s23], s17  }
0x3a: {  	s24 =	ssub.s32 @!p1 $0x0, s17;
	s17 =	smov.u32 s10;
	s10 =	smov.u32 s13  }
0x3b: {  	s13 =	smov.u32 s20;
	s14 =	smov.u32 s21;
	[sflag:s23] =	ssyncset.done @!p1 $0x0  }
0x3c: {  	s16 =	sadd.s32 $0x1, s16;
	[sflag:s23] =	ssyncadd.s32 @!p1 s24;
	s15 =	smov.u32 s22  }
.LBB1_1:
0x3d: {  	p1 =	sge.u32 s16, s6  }
0x3e: {  	s20 =	sshll.u32 @!p1 s14, $0xA  }
0x3f: {  	s21 =	sshll.u32 @!p1 s13, $0x3;
	s20 =	sand.u32 @!p1 $0xFFFFE000, s20  }
0x40: {  	s20 =	sadd.s32 @!p1 s20, s21  }
0x41: {  	s20 =	sshrl.u32 @!p1 s20, $0xA  }
0x42: {  	s21 =	smulhi.u32 @!p1 $0x4924925, s20  }
0x43: {  	s22 =	sshll.u32 @!p1 s14, $0x7;
	s24 =	smul.u32 @!p1 $0x1C00, s15  }
0x44: {  	s23 =	sand.u32 @!p1 $0x78, s13;
	s22 =	sand.u32 @!p1 $0x380, s22;
	s21 =	smul.u32 @!p1 $0x38, s21  }
0x45: {  	s31 =	sadd.s32 $0xFFFFFFFF, s16;
	s22 =	sor.u32 @!p1 s23, s22;
	s23 =	sadd.s32 @!p1 s4, s24  }
0x46: {  	s22 =	sshrl.u32 @!p1 s22, $0x3;
	s20 =	ssub.s32 @!p1 s20, s21;
	s21 =	sxor.u32 @!p1 $0xFFFFFFFF, s16  }
0x47: {  	s22 =	sadd.s32 @!p1 s22, s23;
	s23 =	sand.u32 @!p1 $0x7, s13;
	s21 =	sshll.u32 @!p1 s21, $0xE  }
0x48: {  	s23 =	sshll.u32 @!p1 s23, $0x12;
	s20 =	sshll.u32 @!p1 s20, $0x7;
	s21 =	sand.u32 @!p1 $0x4000, s21  }
0x49: {  	s20 =	sadd.s32 @!p1 s20, s22;
	s22 =	sor.u32 @!p1 $0x80, s23;
	s23 =	simm.s32 @!p1 $0xE000  }
0x4a: {  	[tilespmem:s21], [sflag:$0x1] =	stream.strided.gather @!p1 [hbm4b:s20+s22], $0x4000, s23, s22, $0x38;
	[tilespmem:$0x10100] =	vst v63  }
0x4b: {  	p1 =	sge.u32 s31, s6  }
.Ltmp2:
0x4c: {  	_ = 	snop;
	(pc) =	sbr.rel @p1 .LBB1_5-.Ltmp2, $1  }
0x4d: {  	_ =	sdelay $0x3  }
0x4e: {  	s20 =	simm.s32 $0x1  }
0x4f: {  	_ =	swait.ge [sflag:s5], $0x4000;
	s20 =	simm.s32 @!p0 $0x0  }
0x50: {  	[sflag:s5] =	ssyncset.done $0x0;
	s21 =	sshll.u32 s20, $0xE  }
0x51: {  	[sflag:s5] =	ssyncadd.s32 $0xFFFFC000;
	s21 =	sor.u32 $0x40, s21  }
0x52: {  	s20 =	smul.u32 $0x10200, s20;
	v0 =	vld [tilespmem:s21+$0x30]  }
0x53: {  	v1 =	vld [tilespmem:s21+$0xFFFFFFD0]  }
0x54: {  	s20 =	sshrl.u32 s20, $0x2;
	v5 =	vld [tilespmem:s21+$0xFFFFFFE0]  }
0x55: {  	v6 =	vld [tilespmem:s21+$0xFFFFFFF0];
	s23 =	sor.u32 $0x8000, s20  }
0x56: {  	s31 =	sand.u32 $0x1, s16;
	v4 =	vld [tilespmem:s21+$0x0];
	s22 =	sadd.s32 $0x0, s23  }
0x57: {  	v3 =	vld [tilespmem:s21+$0x10];
	s20 =	smul.u32 $0x10200, s31;
	[tilespmem:s22+$0x3870 ss:$0x81] =	vst.msk $0xffff, v0  }
0x58: {  	v2 =	vld [tilespmem:s21+$0x20];
	[tilespmem:s22+$0x810 ss:$0x81] =	vst.msk $0xffff, v1  }
0x59: {  	s20 =	sshrl.u32 s20, $0x2;
	v1 =	vld [tilespmem:s21+$0xFFFFFFC0];
	[tilespmem:s22+$0x1020 ss:$0x81] =	vst.msk $0xffff, v5;
	s21 =	sadd.s32 $0x80, s21  }
0x5a: {  	s24 =	simm.s32 $0x4;
	s25 =	simm.s32 $0x8;
	s20 =	sor.u32 $0x8000, s20;
	[tilespmem:s22+$0x1830 ss:$0x81] =	vst.msk $0xffff, v6;
	v0 =	vld [tilespmem:s21+$0x30]  }
.LBB1_3:
0x5b: {  	p1 =	sne.s32 s25, $0x1FC;
	v5 =	vld [tilespmem:s21+$0xFFFFFFD0];
	[tilespmem:s22+$0x2040 ss:$0x81] =	vst.msk $0xffff, v4  }
0x5c: {  	v6 =	vld [tilespmem:s21+$0xFFFFFFE0];
	[tilespmem:s22+$0x2850 ss:$0x81] =	vst.msk $0xffff, v3  }
0x5d: {  	s26 =	sshra.s32 s24, $0x2;
	s24 =	smov.u32 s25;
	v7 =	vld [tilespmem:s21+$0xFFFFFFF0];
	[tilespmem:s22+$0x3060 ss:$0x81] =	vst.msk $0xffff, v2  }
.Ltmp3:
0x5e: {  	v4 =	vld [tilespmem:s21+$0x0];
	[tilespmem:s22+$0x0 ss:$0x81] =	vst.msk $0xffff, v1;
	s22 =	sadd.s32 s26, s23;
	(pc) =	sbr.rel @p1 .LBB1_3-.Ltmp3, $4  }
0x5f: {  	v3 =	vld [tilespmem:s21+$0x10];
	[tilespmem:s22+$0x3870 ss:$0x81] =	vst.msk $0xffff, v0  }
0x60: {  	[tilespmem:s22+$0x810 ss:$0x81] =	vst.msk $0xffff, v5;
	v2 =	vld [tilespmem:s21+$0x20]  }
0x61: {  	v1 =	vld [tilespmem:s21+$0xFFFFFFC0];
	[tilespmem:s22+$0x1020 ss:$0x81] =	vst.msk $0xffff, v6;
	s21 =	sadd.s32 $0x80, s21  }
0x62: {  	s25 =	sadd.s32 $0x4, s25;
	v0 =	vld [tilespmem:s21+$0x30];
	[tilespmem:s22+$0x1830 ss:$0x81] =	vst.msk $0xffff, v7  }
.Ltmp4:
0x63: {  	_ = 	snop;
	(pc) =	sbr.rel .LBB1_4-.Ltmp4, $1  }
0x64: {  	_ =	sdelay $0x3  }
.LBB1_6:
0x65: {  	_ =	sfence.sel $0x180000  }
0x66: {  	s2 =	simm.s32 $0x1;
	[bflag:$0x0] =	sbarrier.arrive $0xFFFF  }
0x67: {  	s31 =	simm.s32 $0x2;
	[sflag:s2] =	ssyncpa.u1 $0x1  }
0x68: {  	[sflag:s31] =	ssyncpa.u1 $0x1  }
0x69: {  	p0 =	sne.s32 s0, $0x0;
	_ =	strace $0x9000004A  }
0x6a: {  	s0 =	sadd.s32 @!p0 $0x100000, s1;
	[bflag:$0x2] =	sbarrier.arrive $0xFFFF  }
0x6b: {  	[sflag:s0] =	ssyncadd.tile.s32 @!p0 $0x1;
	_ =	shalt  }
.Lfunc_end1:
_tile_overlayer_lowered:
.L_overlay_start_2:
0x6c: {  	(tag) =	ssettag $0x2  }
0x6d: {  	s0 =	rddreg [dreg:$0x0];
	s2 =	stileid.u32  }
0x6e: {  	s1 =	rddreg [dreg:$0x1];
	p0 =	sne.s32 s2, $0x0  }
0x6f: {  	s3 =	rddreg [dreg:$0x2];
	[bflag:$0x3] =	sbarrier.arrive $0xFFFF;
	s2 =	simm.s32 @!p0 $0x1C01  }
0x70: {  	[timem:s3], [sflag:s2] =	dma.local @!p0 [hbm:s0], s1  }
0x71: {  	s0 =	simm.s32 @!p0 $0x1  }
0x72: {  	_ =	swait.ge @!p0 [sflag:s0], s1  }
0x73: {  	s1 =	ssub.s32 @!p0 $0x0, s1;
	[sflag:s0] =	ssyncset.done @!p0 $0x0  }
0x74: {  	[sflag:s0] =	ssyncadd.s32 @!p0 s1  }
0x75: {  	[bflag:$0x3] =	sbarrier.arrive $0xFFFF  }
0x76: {  	_ =	shalt  }

</sc_bundles>
